<compile_context>
chip_gen: v7x
topology: tpu7x:2x2x1
jax: 0.10.2.dev20260603
libtpu: 0.0.44.dev20260713+nightly
codegen_flags: <defaults>
</compile_context>

<pallas_src>
import jax
import jax.numpy as jnp
from jax import lax
from jax.experimental import pallas as pl
from jax.experimental.pallas import tpu as pltpu
from jax.experimental.pallas import tpu_sc as plsc
from jax._src.pallas import mpmd

_info = plsc.get_sparse_core_info()
_NC, _NS = _info.num_cores, _info.num_subcores
_NW = _NC * _NS


def _make_router(n_tokens, vocab):
    assert n_tokens % (8 * _NW) == 0
    per_w = n_tokens // _NW
    smesh = plsc.ScalarSubcoreMesh(axis_name="c", num_cores=_NC)
    vmesh = plsc.VectorSubcoreMesh(core_axis_name="c", subcore_axis_name="s")

    scratch = (
        (pltpu.VMEM @ vmesh)((per_w,), jnp.int32),
        (pltpu.VMEM @ vmesh)((per_w,), jnp.int32),
        pltpu.VMEM_SHARED((vocab,), jnp.int32),
        pltpu.SemaphoreType.DMA @ vmesh,
        pltpu.SemaphoreType.DMA @ vmesh,
        pltpu.SemaphoreType.DMA @ smesh,
        pltpu.SemaphoreType.REGULAR @ vmesh,
    )

    def scs_fn(ids, table, out, idx_v, vals_v, table_s, s_in, s_g, s_st, ready):
        del ids, out, idx_v, vals_v, s_in, s_g
        pltpu.async_copy(table, table_s, s_st).wait()
        for t in range(_NS):
            pltpu.semaphore_signal(ready, 1, device_id={"s": t})

    def tec_fn(ids, table, out, idx_v, vals_v, table_s, s_in, s_g, s_st, ready):
        del table, s_st
        sid = lax.axis_index("s")
        wid = sid * _NC + lax.axis_index("c")
        base = wid * per_w
        in_c = pltpu.async_copy(ids.at[pl.ds(base, per_w)], idx_v, s_in)
        in_c.wait()
        pl.semaphore_wait(ready, 1)
        pltpu.async_copy(table_s.at[idx_v], vals_v, s_g).wait()
        pltpu.sync_copy(vals_v, out.at[pl.ds(base, per_w)])

    return mpmd.mpmd_map(
        [(smesh, scs_fn), (vmesh, tec_fn)],
        out_types=[jax.ShapeDtypeStruct((n_tokens,), jnp.int32)],
        scratch_types=scratch,
    )


def kernel(input, hash):
    b, s = input.shape
    n = b * s
    ids = input.astype(jnp.int32).reshape(n)
    (out,) = _make_router(n, hash.shape[0])(ids, hash.astype(jnp.int32))
    return out.reshape(b, s).astype(hash.dtype)

# --- scband reference (transcript-rebuilt; emitter-appended) ---
"""Pipeline reference for scband-hash-router-78898549227731 (READ-ONLY COPY).

The authoritative reference and input builder live on the scoring server;
editing this copy changes nothing except your own understanding.
"""

import jax, jax.numpy as jnp
import numpy as np

NUM_EXPERTS = 16
VOCAB_SIZE = 50257
BATCH = 4
SEQ = 4096


def setup_inputs(seed: int = 0) -> dict:
    key = jax.random.key(seed)
    k1, k2 = jax.random.split(key)
    input_ids = jax.random.randint(k1, (BATCH, SEQ), 0, VOCAB_SIZE, dtype=jnp.int64 if jax.config.read('jax_enable_x64') else jnp.int32)
    hash_table = jax.random.randint(k2, (VOCAB_SIZE,), 0, NUM_EXPERTS, dtype=jnp.int64 if jax.config.read('jax_enable_x64') else jnp.int32)
    return {"input": input_ids, "hash": hash_table}


def reference(input, hash):
    # HashRouter.forward: expert assignment per token via table lookup (gather)
    return jnp.take(hash, input, axis=0)

if __name__ == "__main__":
    import jax
    _d = setup_inputs()
    print(jax.jit(kernel)(*tuple(_d.values())))

</pallas_src>

<mosaic_0001>
#map = affine_map<(d0) -> (0)>
#map1 = affine_map<(d0, d1) -> (0)>
module attributes {stable_mosaic.version = 14 : i64} {
  func.func @scs_fn(%arg0: i32, %arg1: memref<16384xi32, #tpu.memory_space<hbm>>, %arg2: memref<50257xi32, #tpu.memory_space<hbm>>, %arg3: memref<16384xi32, #tpu.memory_space<hbm>>, %arg4: memref<512xi32, #tpu.memory_space<vmem, sc_vector_subcore>>, %arg5: memref<512xi32, #tpu.memory_space<vmem, sc_vector_subcore>>, %arg6: memref<50257xi32, #tpu.memory_space<vmem_shared>>, %arg7: memref<!tpu.dma_semaphore, #tpu.memory_space<semaphore_mem, sc_vector_subcore>>, %arg8: memref<!tpu.dma_semaphore, #tpu.memory_space<semaphore_mem, sc_vector_subcore>>, %arg9: memref<!tpu.dma_semaphore, #tpu.memory_space<semaphore_mem>>, %arg10: memref<!tpu.semaphore, #tpu.memory_space<semaphore_mem, sc_vector_subcore>>) attributes {dimension_semantics = [#tpu.dimension_semantics<core_parallel>], iteration_bounds = array<i64: 2>, scalar_prefetch = 0 : i64, scratch_operands = 7 : i64, tpu.core_type = #tpu.core_type<sc_scalar_subcore>, window_params = [{transform_indices = #map}, {transform_indices = #map}, {transform_indices = #map}]} {
    tpu.enqueue_dma source(%arg2 : memref<50257xi32, #tpu.memory_space<hbm>>) target(%arg6 : memref<50257xi32, #tpu.memory_space<vmem_shared>>) target_semaphore(%arg9 : memref<!tpu.dma_semaphore, #tpu.memory_space<semaphore_mem>>)
    tpu.wait_dma2 semaphore(%arg9 : memref<!tpu.dma_semaphore, #tpu.memory_space<semaphore_mem>>) src(%arg2 : memref<50257xi32, #tpu.memory_space<hbm>>) dst(%arg6 : memref<50257xi32, #tpu.memory_space<vmem_shared>>)
    %semaphore_signal3A = arith.constant 1 : i32
    %semaphore_signal3A_0 = arith.constant 0 : i32
    tpu.sem_signal %arg10, %semaphore_signal3A core_id %arg0 subcore_id %semaphore_signal3A_0 : memref<!tpu.semaphore, #tpu.memory_space<semaphore_mem, sc_vector_subcore>>
    %semaphore_signal3A_1 = arith.constant 1 : i32
    %semaphore_signal3A_2 = arith.constant 1 : i32
    tpu.sem_signal %arg10, %semaphore_signal3A_1 core_id %arg0 subcore_id %semaphore_signal3A_2 : memref<!tpu.semaphore, #tpu.memory_space<semaphore_mem, sc_vector_subcore>>
    %semaphore_signal3A_3 = arith.constant 1 : i32
    %semaphore_signal3A_4 = arith.constant 2 : i32
    tpu.sem_signal %arg10, %semaphore_signal3A_3 core_id %arg0 subcore_id %semaphore_signal3A_4 : memref<!tpu.semaphore, #tpu.memory_space<semaphore_mem, sc_vector_subcore>>
    %semaphore_signal3A_5 = arith.constant 1 : i32
    %semaphore_signal3A_6 = arith.constant 3 : i32
    tpu.sem_signal %arg10, %semaphore_signal3A_5 core_id %arg0 subcore_id %semaphore_signal3A_6 : memref<!tpu.semaphore, #tpu.memory_space<semaphore_mem, sc_vector_subcore>>
    %semaphore_signal3A_7 = arith.constant 1 : i32
    %semaphore_signal3A_8 = arith.constant 4 : i32
    tpu.sem_signal %arg10, %semaphore_signal3A_7 core_id %arg0 subcore_id %semaphore_signal3A_8 : memref<!tpu.semaphore, #tpu.memory_space<semaphore_mem, sc_vector_subcore>>
    %semaphore_signal3A_9 = arith.constant 1 : i32
    %semaphore_signal3A_10 = arith.constant 5 : i32
    tpu.sem_signal %arg10, %semaphore_signal3A_9 core_id %arg0 subcore_id %semaphore_signal3A_10 : memref<!tpu.semaphore, #tpu.memory_space<semaphore_mem, sc_vector_subcore>>
    %semaphore_signal3A_11 = arith.constant 1 : i32
    %semaphore_signal3A_12 = arith.constant 6 : i32
    tpu.sem_signal %arg10, %semaphore_signal3A_11 core_id %arg0 subcore_id %semaphore_signal3A_12 : memref<!tpu.semaphore, #tpu.memory_space<semaphore_mem, sc_vector_subcore>>
    %semaphore_signal3A_13 = arith.constant 1 : i32
    %semaphore_signal3A_14 = arith.constant 7 : i32
    tpu.sem_signal %arg10, %semaphore_signal3A_13 core_id %arg0 subcore_id %semaphore_signal3A_14 : memref<!tpu.semaphore, #tpu.memory_space<semaphore_mem, sc_vector_subcore>>
    %semaphore_signal3A_15 = arith.constant 1 : i32
    %semaphore_signal3A_16 = arith.constant 8 : i32
    tpu.sem_signal %arg10, %semaphore_signal3A_15 core_id %arg0 subcore_id %semaphore_signal3A_16 : memref<!tpu.semaphore, #tpu.memory_space<semaphore_mem, sc_vector_subcore>>
    %semaphore_signal3A_17 = arith.constant 1 : i32
    %semaphore_signal3A_18 = arith.constant 9 : i32
    tpu.sem_signal %arg10, %semaphore_signal3A_17 core_id %arg0 subcore_id %semaphore_signal3A_18 : memref<!tpu.semaphore, #tpu.memory_space<semaphore_mem, sc_vector_subcore>>
    %semaphore_signal3A_19 = arith.constant 1 : i32
    %semaphore_signal3A_20 = arith.constant 10 : i32
    tpu.sem_signal %arg10, %semaphore_signal3A_19 core_id %arg0 subcore_id %semaphore_signal3A_20 : memref<!tpu.semaphore, #tpu.memory_space<semaphore_mem, sc_vector_subcore>>
    %semaphore_signal3A_21 = arith.constant 1 : i32
    %semaphore_signal3A_22 = arith.constant 11 : i32
    tpu.sem_signal %arg10, %semaphore_signal3A_21 core_id %arg0 subcore_id %semaphore_signal3A_22 : memref<!tpu.semaphore, #tpu.memory_space<semaphore_mem, sc_vector_subcore>>
    %semaphore_signal3A_23 = arith.constant 1 : i32
    %semaphore_signal3A_24 = arith.constant 12 : i32
    tpu.sem_signal %arg10, %semaphore_signal3A_23 core_id %arg0 subcore_id %semaphore_signal3A_24 : memref<!tpu.semaphore, #tpu.memory_space<semaphore_mem, sc_vector_subcore>>
    %semaphore_signal3A_25 = arith.constant 1 : i32
    %semaphore_signal3A_26 = arith.constant 13 : i32
    tpu.sem_signal %arg10, %semaphore_signal3A_25 core_id %arg0 subcore_id %semaphore_signal3A_26 : memref<!tpu.semaphore, #tpu.memory_space<semaphore_mem, sc_vector_subcore>>
    %semaphore_signal3A_27 = arith.constant 1 : i32
    %semaphore_signal3A_28 = arith.constant 14 : i32
    tpu.sem_signal %arg10, %semaphore_signal3A_27 core_id %arg0 subcore_id %semaphore_signal3A_28 : memref<!tpu.semaphore, #tpu.memory_space<semaphore_mem, sc_vector_subcore>>
    %semaphore_signal3A_29 = arith.constant 1 : i32
    %semaphore_signal3A_30 = arith.constant 15 : i32
    tpu.sem_signal %arg10, %semaphore_signal3A_29 core_id %arg0 subcore_id %semaphore_signal3A_30 : memref<!tpu.semaphore, #tpu.memory_space<semaphore_mem, sc_vector_subcore>>
    return
  }
  func.func @tec_fn(%arg0: i32, %arg1: i32, %arg2: memref<16384xi32, #tpu.memory_space<hbm>>, %arg3: memref<50257xi32, #tpu.memory_space<hbm>>, %arg4: memref<16384xi32, #tpu.memory_space<hbm>>, %arg5: memref<512xi32, #tpu.memory_space<vmem>>, %arg6: memref<512xi32, #tpu.memory_space<vmem>>, %arg7: memref<50257xi32, #tpu.memory_space<vmem_shared>>, %arg8: memref<!tpu.dma_semaphore, #tpu.memory_space<semaphore_mem>>, %arg9: memref<!tpu.dma_semaphore, #tpu.memory_space<semaphore_mem>>, %arg10: memref<!tpu.dma_semaphore, #tpu.memory_space<semaphore_mem, sc_scalar_subcore>>, %arg11: memref<!tpu.semaphore, #tpu.memory_space<semaphore_mem>>) attributes {dimension_semantics = [#tpu.dimension_semantics<core_parallel>, #tpu.dimension_semantics<subcore_parallel>], iteration_bounds = array<i64: 2, 16>, scalar_prefetch = 0 : i64, scratch_operands = 7 : i64, tpu.core_type = #tpu.core_type<sc_vector_subcore>, window_params = [{transform_indices = #map1}, {transform_indices = #map1}, {transform_indices = #map1}]} {
    %mul3A = arith.constant 2 : i32
    %mul3A_0 = arith.muli %arg1, %mul3A : i32
    %add3A = arith.addi %mul3A_0, %arg0 : i32
    %mul3A_1 = arith.constant 512 : i32
    %mul3A_2 = arith.muli %add3A, %mul3A_1 : i32
    %dma_start3A = tpu.memref_slice %arg2[%mul3A_2] : memref<16384xi32, #tpu.memory_space<hbm>> -> memref<512xi32, #tpu.memory_space<hbm>>
    %dma_start3A_3 = tpu.memref_slice %arg2[%mul3A_2] : memref<16384xi32, #tpu.memory_space<hbm>> -> memref<512xi32, #tpu.memory_space<hbm>>
    tpu.enqueue_dma source(%dma_start3A_3 : memref<512xi32, #tpu.memory_space<hbm>>) target(%arg5 : memref<512xi32, #tpu.memory_space<vmem>>) target_semaphore(%arg8 : memref<!tpu.dma_semaphore, #tpu.memory_space<semaphore_mem>>)
    %dma_wait3A = tpu.memref_slice %arg2[%mul3A_2] : memref<16384xi32, #tpu.memory_space<hbm>> -> memref<512xi32, #tpu.memory_space<hbm>>
    %dma_wait3A_4 = tpu.memref_slice %arg2[%mul3A_2] : memref<16384xi32, #tpu.memory_space<hbm>> -> memref<512xi32, #tpu.memory_space<hbm>>
    tpu.wait_dma2 semaphore(%arg8 : memref<!tpu.dma_semaphore, #tpu.memory_space<semaphore_mem>>) src(%dma_wait3A_4 : memref<512xi32, #tpu.memory_space<hbm>>) dst(%arg5 : memref<512xi32, #tpu.memory_space<vmem>>)
    %semaphore_wait3A = arith.constant 1 : i32
    %semaphore_wait3A_5 = arith.constant true
    tpu.sem_wait %arg11, %semaphore_wait3A : memref<!tpu.semaphore, #tpu.memory_space<semaphore_mem>>
    %dma_start3A_6 = arith.constant 0 : i32
    %dma_start3A_7 = tpu.memref_slice %arg7[%dma_start3A_6] : memref<50257xi32, #tpu.memory_space<vmem_shared>> -> memref<50257xi32, #tpu.memory_space<vmem_shared>>
    tpu.enqueue_indirect_dma source(%dma_start3A_7 : memref<50257xi32, #tpu.memory_space<vmem_shared>>) target(%arg6 : memref<512xi32, #tpu.memory_space<vmem>>) offsets(%arg5 : memref<512xi32, #tpu.memory_space<vmem>>) semaphore(%arg9 : memref<!tpu.dma_semaphore, #tpu.memory_space<semaphore_mem>>)
    %dma_wait3A_8 = arith.constant 0 : i32
    %dma_wait3A_9 = tpu.memref_slice %arg7[%dma_wait3A_8] : memref<50257xi32, #tpu.memory_space<vmem_shared>> -> memref<50257xi32, #tpu.memory_space<vmem_shared>>
    tpu.wait_indirect_dma semaphore(%arg9 : memref<!tpu.dma_semaphore, #tpu.memory_space<semaphore_mem>>) src(%dma_wait3A_9 : memref<50257xi32, #tpu.memory_space<vmem_shared>>) dst(%arg6 : memref<512xi32, #tpu.memory_space<vmem>>)
    "tpu.region"() ({
      %run_scoped3A = tpu.sem_alloc : memref<!tpu.dma_semaphore, #tpu.memory_space<semaphore_mem>>
      %dma_start3A_10 = tpu.memref_slice %arg4[%mul3A_2] : memref<16384xi32, #tpu.memory_space<hbm>> -> memref<512xi32, #tpu.memory_space<hbm>>
      %dma_start3A_11 = tpu.memref_slice %arg4[%mul3A_2] : memref<16384xi32, #tpu.memory_space<hbm>> -> memref<512xi32, #tpu.memory_space<hbm>>
      tpu.enqueue_dma source(%arg6 : memref<512xi32, #tpu.memory_space<vmem>>) target(%dma_start3A_11 : memref<512xi32, #tpu.memory_space<hbm>>) target_semaphore(%run_scoped3A : memref<!tpu.dma_semaphore, #tpu.memory_space<semaphore_mem>>)
      %dma_wait3A_12 = tpu.memref_slice %arg4[%mul3A_2] : memref<16384xi32, #tpu.memory_space<hbm>> -> memref<512xi32, #tpu.memory_space<hbm>>
      %dma_wait3A_13 = tpu.memref_slice %arg4[%mul3A_2] : memref<16384xi32, #tpu.memory_space<hbm>> -> memref<512xi32, #tpu.memory_space<hbm>>
      tpu.wait_dma2 semaphore(%run_scoped3A : memref<!tpu.dma_semaphore, #tpu.memory_space<semaphore_mem>>) src(%arg6 : memref<512xi32, #tpu.memory_space<vmem>>) dst(%dma_wait3A_13 : memref<512xi32, #tpu.memory_space<hbm>>)
      tpu.yield
    }) : () -> ()
    return
  }
}

</mosaic_0001>

<sc_bundles>
// kernel: kernel.3.cloned.1.call-start
scs
__scs_entry_jumppad:
0x0: {  	(pc) =	sbr.rel $0x88, $3  }
0x1: {  	(tag) =	ssettag $0x0;
	lr =	simm.s32 $0x1  }
0x2: {  	[smem:$0x3F9F] =	sst lr;
	_ =	strace $0xD0000000  }
0x3: {  	_ = 	snop  }
0x4: {  	_ = 	snop  }
0x5: {  	_ = 	snop  }
0x6: {  	_ = 	snop  }
0x7: {  	_ = 	snop  }
__scs_overlays_trampoline_lowered:
0x8: {  	[smem:$0x3FAE] =	sst s0  }
0x9: {  	[smem:$0x3FAF] =	sst s1  }
0xa: {  	[smem:$0x3FB0] =	sst s2  }
0xb: {  	[smem:$0x3FB1] =	sst s3  }
0xc: {  	[smem:$0x3FB2] =	sst s4  }
0xd: {  	[smem:$0x3FB3] =	sst s5  }
0xe: {  	[smem:$0x3FB4] =	sst s6  }
0xf: {  	[smem:$0x3FB5] =	sst s7  }
0x10: {  	[smem:$0x3FB6] =	sst s8  }
0x11: {  	[smem:$0x3FB7] =	sst s9;
	s0 =	simm.s32 @!p0 $0x0  }
0x12: {  	s1 =	sld [smem:$0x3F9D];
	s0 =	simm.s32 @p0 $0x1  }
0x13: {  	[smem:$0x3FB8] =	sst s0;
	s0 =	simm.s32 @!p1 $0x0  }
0x14: {  	s2 =	sld [smem:$0x3F9C];
	s0 =	simm.s32 @p1 $0x1  }
0x15: {  	[smem:$0x3FB9] =	sst s0;
	s0 =	simm.s32 @!p2 $0x0  }
0x16: {  	s3 =	sld [smem:$0x3FDB];
	s0 =	simm.s32 @p2 $0x1  }
0x17: {  	s4 =	simm.s32 $0x1BF5;
	[smem:$0x3FBB] =	sst s0  }
0x18: {  	s0 =	sld [smem:$0x3F9E];
	_ =	swait.ge [sflag:s4], $0x0  }
0x19: {  	s7 =	sld [smem:$0x3F9F]  }
0x1a: {  	s8 =	sadd.s32 $0xFFFFE003, lr  }
0x1b: {  	s9 =	sadd.s32 $0xFFFFFEF7, lr;
	s5 =	simm.s32 $0xFFFFFFFF;
	p2 =	slt.u32 s8, $0xFFFFF086  }
0x1c: {  	p1 =	slt.u32 s9, $0xF7A;
	s5 =	simm.s32 @!p2 $0x0  }
0x1d: {  	s5 =	simm.s32 @p1 $0x1;
	p0 =	seq.s32 s7, s2  }
0x1e: {  	s7 =	smul.u32 @!p0 $0xF7A, s2;
	p2 =	seq.s32 @!p0 s5, $0x0  }
0x1f: {  	s9 =	smul.u32 $0xF7A, s1;
	s8 =	simm.s32 @!p0 $0x1BF5;
	p2 =	por !p2, p0  }
0x20: {  	[sflag:s8] =	ssyncset.s32 @!p0 $0xFFFFF086;
	s6 =	sadd.s32 @!p0 s3, s7;
	s7 =	simm.s32 @!p0 $0x108  }
0x21: {  	s3 =	sadd.s32 s3, s9;
	s6 =	sadd.s32 @!p0 $0x88, s6;
	s7 =	simm.s32 @p2 $0x1082  }
0x22: {  	[simem:s7], [sflag:s8] =	dma.local @!p0 [hbm:s6], $0xF7A  }
0x23: {  	s9 =	sor.u32 $0xD0000000, s2;
	s6 =	simm.s32 $0x108;
	_ =	swait.ge @!p0 [sflag:s8], $0x0  }
0x24: {  	s3 =	sadd.s32 $0x88, s3;
	s6 =	simm.s32 @!p1 $0x1082;
	[sflag:s4] =	ssyncset.s32 $0xFFFFF086  }
0x25: {  	[simem:s6], [sflag:s4] =	dma.local [hbm:s3], $0xF7A  }
0x26: {  	[smem:$0x3F9F] =	sst s1;
	(tag) =	ssettag s2;
	_ =	strace s9  }
0x27: {  	s1 =	sld [smem:$0x3FAF]  }
0x28: {  	s2 =	sld [smem:$0x3FB0]  }
0x29: {  	s4 =	sld [smem:$0x3FB2]  }
0x2a: {  	p0 =	seq.s32 s5, $0x0;
	s5 =	sld [smem:$0x3FB3]  }
0x2b: {  	s6 =	sld [smem:$0x3FB4]  }
0x2c: {  	s7 =	sld [smem:$0x3FB5]  }
0x2d: {  	s3 =	simm.s32 $0x108;
	s8 =	sld [smem:$0x3FB6]  }
0x2e: {  	s3 =	simm.s32 @!p0 $0x1082;
	s9 =	sld [smem:$0x3FB7]  }
0x2f: {  	lr =	sadd.s32 s0, s3;
	s0 =	sld [smem:$0x3FAE]  }
0x30: {  	s3 =	sld [smem:$0x3FB1]  }
0x31: {  	[smem:$0x3FBA] =	sst s10  }
0x32: {  	s10 =	sld [smem:$0x3FB8];
	_ =	sdelay $0x3  }
0x33: {  	p0 =	seq.s32 s10, $0x1;
	s10 =	sld [smem:$0x3FBA];
	_ =	sdelay $0x3  }
0x34: {  	[smem:$0x3FBA] =	sst s10  }
0x35: {  	s10 =	sld [smem:$0x3FB9];
	_ =	sdelay $0x3  }
0x36: {  	p1 =	seq.s32 s10, $0x1;
	s10 =	sld [smem:$0x3FBA];
	_ =	sdelay $0x3  }
0x37: {  	[smem:$0x3FBA] =	sst s10  }
0x38: {  	s10 =	sld [smem:$0x3FBB]  }
0x39: {  	_ = 	snop;
	(pc) =	sbr.ind lr, $3  }
0x3a: {  	_ = 	snop  }
0x3b: {  	_ = 	snop  }
0x3c: {  	p2 =	seq.s32 s10, $0x1;
	s10 =	sld [smem:$0x3FBA]  }
0x3d: {  	_ =	shalt  }
0x3e: {  	_ =	shalt  }
0x3f: {  	_ =	shalt  }
0x40: {  	_ =	shalt  }
0x41: {  	_ =	shalt  }
0x42: {  	_ =	shalt  }
0x43: {  	_ =	shalt  }
0x44: {  	_ =	shalt  }
0x45: {  	_ =	shalt  }
0x46: {  	_ =	shalt  }
0x47: {  	_ =	shalt  }
0x48: {  	_ =	shalt  }
0x49: {  	_ =	shalt  }
0x4a: {  	_ =	shalt  }
0x4b: {  	_ =	shalt  }
0x4c: {  	_ =	shalt  }
0x4d: {  	_ =	shalt  }
0x4e: {  	_ =	shalt  }
0x4f: {  	_ =	shalt  }
0x50: {  	_ =	shalt  }
0x51: {  	_ =	shalt  }
0x52: {  	_ =	shalt  }
0x53: {  	_ =	shalt  }
0x54: {  	_ =	shalt  }
0x55: {  	_ =	shalt  }
0x56: {  	_ =	shalt  }
0x57: {  	_ =	shalt  }
0x58: {  	_ =	shalt  }
0x59: {  	_ =	shalt  }
0x5a: {  	_ =	shalt  }
0x5b: {  	_ =	shalt  }
0x5c: {  	_ =	shalt  }
0x5d: {  	_ =	shalt  }
0x5e: {  	_ =	shalt  }
0x5f: {  	_ =	shalt  }
0x60: {  	_ =	shalt  }
0x61: {  	_ =	shalt  }
0x62: {  	_ =	shalt  }
0x63: {  	_ =	shalt  }
0x64: {  	_ =	shalt  }
0x65: {  	_ =	shalt  }
0x66: {  	_ =	shalt  }
0x67: {  	_ =	shalt  }
0x68: {  	_ =	shalt  }
0x69: {  	_ =	shalt  }
0x6a: {  	_ =	shalt  }
0x6b: {  	_ =	shalt  }
0x6c: {  	_ =	shalt  }
0x6d: {  	_ =	shalt  }
0x6e: {  	_ =	shalt  }
0x6f: {  	_ =	shalt  }
0x70: {  	_ =	shalt  }
0x71: {  	_ =	shalt  }
0x72: {  	_ =	shalt  }
0x73: {  	_ =	shalt  }
0x74: {  	_ =	shalt  }
0x75: {  	_ =	shalt  }
0x76: {  	_ =	shalt  }
0x77: {  	_ =	shalt  }
0x78: {  	_ =	shalt  }
0x79: {  	_ =	shalt  }
0x7a: {  	_ =	shalt  }
0x7b: {  	_ =	shalt  }
0x7c: {  	_ =	shalt  }
0x7d: {  	_ =	shalt  }
0x7e: {  	_ =	shalt  }
0x7f: {  	_ =	shalt  }
0x80: {  	_ =	shalt  }
0x81: {  	_ =	shalt  }
0x82: {  	_ =	shalt  }
0x83: {  	_ =	shalt  }
0x84: {  	_ =	shalt  }
0x85: {  	_ =	shalt  }
0x86: {  	_ =	shalt  }
0x87: {  	_ =	shalt  }
.Lfunc_end0:
.L_simem_size_0:
called_computation_lowered:
.L_overlay_start_0:
0x88: {  	s2 =	sld [smem:$0x3FD9]  }
0x89: {  	s3 =	sld [smem:$0x3FFE];
	_ =	sdelay $0x1  }
0x8a: {  	s1 =	srdreg.scid  }
0x8b: {  	s0 =	sand.u32 $0x1, s1  }
0x8c: {  	s22 =	sshll.u32 s0, $0xA;
	s2 =	sadd.s32 s3, s2  }
0x8d: {  	s2 =	sadd.s32 s2, s22  }
0x8e: {  	[smem:$0x3FC6] =	sst s2  }
0x8f: {  	_ = 	snop  }
0x90: {  	s23 =	sld [smem:$0x3FC8]  }
0x91: {  	s4 =	sld [smem:$0x3FD0];
	(tm) =	ssettm $0x1  }
0x92: {  	s24 =	sld [smem:$0x3FFB];
	_ =	sdelay $0x3  }
0x93: {  	_ =	strace s24  }
0x94: {  	s2 =	sld [smem:$0x3FFC];
	_ =	sdelay $0x3  }
0x95: {  	_ =	strace s2  }
0x96: {  	s2 =	sld [smem:$0x3FFD];
	_ =	sdelay $0x3  }
0x97: {  	_ =	strace s2  }
0x98: {  	_ =	strace $0x8FFFFFFF  }
0x99: {  	s25 =	sld [smem:$0x3FDB];
	_ =	sdelay $0x1  }
0x9a: {  	s5 =	simm.s32 $_scs_section_size  }
0x9b: {  	s6 =	simm.s32 $_size__tile_overlayer_lowered;
	s7 =	simm.s32 $_tile_overlayer_lowered  }
0x9c: {  	s8 =	simm.s32 $0x1BFF;
	s26 =	sshll.u32 s7, $0x1;
	s5 =	sadd.s32 s5, s25  }
0x9d: {  	s6 =	sshll.u32 s6, $0x1;
	s2 =	simm.s32 $0x0;
	s7 =	sadd.s32 s26, s5  }
0x9e: {  	[timem:s2], [sflag:s8] =	dma.local [hbm:s7], s6  }
0x9f: {  	_ =	swait.ge [sflag:s8], s6  }
0xa0: {  	s6 =	ssub.s32 $0x0, s6;
	[sflag:s8] =	ssyncset.done $0x0  }
0xa1: {  	[sflag:s8] =	ssyncadd.s32 s6;
	_ =	sdelay $0x1  }
0xa2: {  	s28 =	simm.s32 $0x1B8B  }
0xa3: {  	_ =	swait.ge [sflag:s28], $0x1  }
0xa4: {  	[sflag:s28] =	ssyncset.done $0x0  }
0xa5: {  	s30 =	simm.s32 $0x1B8E;
	s29 =	sld [smem:$0x3FFE];
	[sflag:s28] =	ssyncadd.s32 $0xFFFFFFFF  }
0xa6: {  	s31 =	simm.s32 $execute0_lowered;
	[smem:$0x3FD2] =	sst s30  }
0xa7: {  	s7 =	sshll.u32 s31, $0x1;
	_ =	strace $0x80000046;
	[dreg:$0x1] =	wrdreg $0xFFFFFFFF  }
0xa8: {  	s5 =	sadd.s32 s5, s7;
	s8 =	simm.s32 $_size_execute0_lowered;
	[dreg:$0x0] =	wrdreg $0x0  }
0xa9: {  	s7 =	sshll.u32 s8, $0x1;
	[dreg:$0x2] =	wrdreg s5  }
0xaa: {  	[dreg:$0x3] =	wrdreg s7  }
0xab: {  	[dreg:$0x4] =	wrdreg $0xC0  }
0xac: {  	_ =	task [dreg:s2], $0x5FFFF  }
0xad: {  	[dreg:$0x1] =	wrdreg $0xFFFFFFFF  }
0xae: {  	[dreg:$0x0] =	wrdreg $0x60  }
0xaf: {  	[dreg:$0x2] =	wrdreg s4  }
0xb0: {  	[dreg:$0x3] =	wrdreg s29  }
0xb1: {  	[dreg:$0x4] =	wrdreg $0x4000  }
0xb2: {  	[dreg:$0x5] =	wrdreg $0x9  }
0xb3: {  	s9 =	simm.s32 $0xA;
	s10 =	simm.s32 $0x800;
	_ =	task.clear_ibuf [dreg:s2], $0x6FFFF  }
0xb4: {  	[spmem:s10], [sflag:s9] =	dma.local [hbm:s23], $0x1890  }
0xb5: {  	_ =	swait.ge [sflag:s9], $0x1890  }
0xb6: {  	[sflag:s9] =	ssyncset.done $0x0  }
0xb7: {  	[sflag:s9] =	ssyncadd.s32 $0xFFFFE770  }
0xb8: {  	s11 =	sld [smem:$0x0];
	_ =	sdelay $0x2  }
0xb9: {  	s12 =	sshrl.u32 s1, $0x2  }
0xba: {  	s13 =	sand.u32 $0x3, s1;
	s3 =	sadd.s32 s12, s11  }
0xbb: {  	s5 =	sshll.u32 s13, $0xE;
	s3 =	sshll.u32 s3, $0x11  }
0xbc: {  	s3 =	sor.u32 s3, s5  }
0xbd: {  	s5 =	sor.u32 $0x11C03, s3  }
0xbe: {  	s14 =	sor.u32 $0x11C43, s3;
	[sflag:s5] =	ssyncadd.remote.s32 $0x1  }
0xbf: {  	s15 =	sor.u32 $0x11C83, s3;
	[sflag:s14] =	ssyncadd.remote.s32 $0x1  }
0xc0: {  	s16 =	sor.u32 $0x11CC3, s3;
	[sflag:s15] =	ssyncadd.remote.s32 $0x1  }
0xc1: {  	s17 =	sor.u32 $0x11D03, s3;
	[sflag:s16] =	ssyncadd.remote.s32 $0x1  }
0xc2: {  	s18 =	sor.u32 $0x11D43, s3;
	[sflag:s17] =	ssyncadd.remote.s32 $0x1  }
0xc3: {  	s19 =	sor.u32 $0x11D83, s3;
	[sflag:s18] =	ssyncadd.remote.s32 $0x1  }
0xc4: {  	s20 =	sor.u32 $0x11DC3, s3;
	[sflag:s19] =	ssyncadd.remote.s32 $0x1  }
0xc5: {  	s21 =	sor.u32 $0x11E03, s3;
	[sflag:s20] =	ssyncadd.remote.s32 $0x1  }
0xc6: {  	s22 =	sor.u32 $0x11E43, s3;
	[sflag:s21] =	ssyncadd.remote.s32 $0x1  }
0xc7: {  	s23 =	sor.u32 $0x11E83, s3;
	[sflag:s22] =	ssyncadd.remote.s32 $0x1  }
0xc8: {  	s24 =	sor.u32 $0x11EC3, s3;
	[sflag:s23] =	ssyncadd.remote.s32 $0x1  }
0xc9: {  	s25 =	sor.u32 $0x11F03, s3;
	[sflag:s24] =	ssyncadd.remote.s32 $0x1  }
0xca: {  	s26 =	sor.u32 $0x11F43, s3;
	[sflag:s25] =	ssyncadd.remote.s32 $0x1  }
0xcb: {  	s28 =	sor.u32 $0x11F83, s3;
	[sflag:s26] =	ssyncadd.remote.s32 $0x1  }
0xcc: {  	s3 =	sor.u32 $0x11FC3, s3;
	[sflag:s28] =	ssyncadd.remote.s32 $0x1  }
0xcd: {  	[sflag:s3] =	ssyncadd.remote.s32 $0x1  }
0xce: {  	_ =	strace $0x90000046  }
0xcf: {  	s29 =	simm.s32 $0x9;
	_ =	strace $0x80000048  }
0xd0: {  	_ =	swait.ge [sflag:s29], $0x1  }
0xd1: {  	[sflag:s29] =	ssyncadd.s32 $0xFFFFFFFF  }
0xd2: {  	_ =	strace $0x90000048  }
0xd3: {  	_ =	sfence  }
0xd4: {  	s30 =	sld [smem:$0x0];
	_ =	sdelay $0x2  }
0xd5: {  	s1 =	sshll.u32 s1, $0xD  }
0xd6: {  	s1 =	sand.u32 $0x4000, s1;
	s3 =	sadd.s32 s12, s30  }
0xd7: {  	s0 =	sor.u32 s1, s0;
	s31 =	sshll.u32 s3, $0x11  }
0xd8: {  	s0 =	sor.u32 s31, s0  }
0xd9: {  	s0 =	sadd.s32 $0x8F2B, s0  }
0xda: {  	[sflag:s0] =	ssyncadd.remote.s32 $0x1  }
0xdb: {  	_ =	sfence.sel $0xFFFF  }
0xdc: {  	[dreg:$0x0] =	wrdreg $0xFFFFFFFF;
	(pc) =	sbr.abs _section_cstart, $3  }
0xdd: {  	[dreg:$0x1] =	wrdreg $0xFFFFFFFF  }
0xde: {  	_ =	task.clear_ibuf [dreg:s2], $0x2FFFF;
	_ =	strace $0x9FFFFFFF  }
0xdf: {  	(tm) =	ssettm $0x7FFFFFFF  }
tec
execute0_lowered:
.L_overlay_start_1:
0x0: {  	(tag) =	ssettag $0x1  }
0x1: {  	s4 =	rddreg [dreg:$0x0]  }
0x2: {  	s9 =	rddreg [dreg:$0x1]  }
0x3: {  	s2 =	rddreg [dreg:$0x2];
	s3 =	srdreg.scid  }
0x4: {  	s0 =	rddreg [dreg:$0x3];
	s1 =	stileid.u32;
	s7 =	sand.u32 $0x1, s3  }
0x5: {  	s3 =	simm.s32 $0x0;
	s5 =	sshll.u32 s1, $0x7;
	s6 =	sshll.u32 s7, $0x6  }
0x6: {  	[smem:$0x7FF] =	sst s3;
	s10 =	sor.u32 s6, s5  }
0x7: {  	_ =	strace $0x80000047;
	s5 =	simm.s32 $0x1;
	s4 =	sadd.s32 s4, s10  }
0x8: {  	[tilespmem:s3], [sflag:$0x1] =	stream.linear.gather [hbm4b:s4+s3], $0x200, $0x38;
	[tilespmem:$0x1048] =	vst v63  }
0x9: {  	_ =	swait.ge [sflag:s5], $0x200  }
0xa: {  	[sflag:s5] =	ssyncset.done $0x0  }
0xb: {  	s11 =	ssub.s32 $0x2, s7;
	s6 =	simm.s32 $0x3;
	[sflag:s5] =	ssyncadd.s32 $0xFFFFFE00  }
0xc: {  	s8 =	simm.s32 $0x2;
	s31 =	sshrl.u32 s11, $0x1;
	_ =	swait.ge [sflag:s6], $0x1  }
0xd: {  	s9 =	sadd.s32 s10, s9;
	s10 =	ssub.s32 s11, s31;
	[sflag:s6] =	ssyncset.done $0x0  }
0xe: {  	s7 =	simm.s32 $0x200;
	s11 =	smax.u32 s10, $0x1;
	[sflag:s6] =	ssyncadd.s32 $0xFFFFFFFF  }
0xf: {  	[tilespmem:s7], [sflag:$0x2] =	stream.indirect.gather [spmem:s2], $0x1, s3, s7, $0xb8;
	[tilespmem:$0x1048] =	vst v63  }
0x10: {  	p0 =	sne.s32 s11, $0x1;
	_ =	swait.ge [sflag:s8], $0x200  }
.Ltmp0:
0x11: {  	[sflag:s8] =	ssyncset.done $0x0;
	(pc) =	sbr.rel @!p0 .LBB2_2-.Ltmp0, $4  }
0x12: {  	s9 =	sadd.s32 $0x400, s9;
	s10 =	simm.s32 $0x4;
	[sflag:s8] =	ssyncadd.s32 $0xFFFFFE00  }
0x13: {  	[hbm4b:s9+s3] =	stream.linear.scatter [tilespmem:s7], [sflag:$0x4], $0x200, $0x38;
	[tilespmem:$0x1048] =	vst v63  }
0x14: {  	_ =	swait.ge [sflag:s10], $0x200  }
0x15: {  	s11 =	sadd.s32 $0xFFFFFFFF, s11;
	[sflag:s10] =	ssyncset.done $0x0  }
.LBB2_1:
0x16: {  	p0 =	sne.s32 s11, $0x1;
	s11 =	sadd.s32 $0xFFFFFFFF, s11;
	[sflag:s10] =	ssyncadd.s32 $0xFFFFFE00  }
0x17: {  	[tilespmem:s3], [sflag:$0x1] =	stream.linear.gather [hbm4b:s4+s3], $0x200, $0x38;
	[tilespmem:$0x1048] =	vst v63  }
0x18: {  	_ =	swait.ge [sflag:s5], $0x200  }
0x19: {  	[sflag:s5] =	ssyncset.done $0x0  }
0x1a: {  	[sflag:s5] =	ssyncadd.s32 $0xFFFFFE00  }
0x1b: {  	_ =	swait.ge [sflag:s6], $0x1  }
0x1c: {  	[sflag:s6] =	ssyncset.done $0x0  }
0x1d: {  	[sflag:s6] =	ssyncadd.s32 $0xFFFFFFFF  }
0x1e: {  	[tilespmem:s7], [sflag:$0x2] =	stream.indirect.gather [spmem:s2], $0x1, s3, s7, $0xb8;
	[tilespmem:$0x1048] =	vst v63  }
0x1f: {  	_ =	swait.ge [sflag:s8], $0x200  }
.Ltmp1:
0x20: {  	[sflag:s8] =	ssyncset.done $0x0;
	(pc) =	sbr.rel @p0 .LBB2_1-.Ltmp1, $4  }
0x21: {  	[sflag:s8] =	ssyncadd.s32 $0xFFFFFE00  }
0x22: {  	[hbm4b:s9+s3] =	stream.linear.scatter [tilespmem:s7], [sflag:$0x4], $0x200, $0x38;
	[tilespmem:$0x1048] =	vst v63  }
0x23: {  	_ =	swait.ge [sflag:s10], $0x200  }
0x24: {  	[sflag:s10] =	ssyncset.done $0x0  }
.LBB2_2:
0x25: {  	[sflag:s10] =	ssyncadd.s32 $0xFFFFFE00  }
0x26: {  	_ =	sfence.sel $0x180000  }
0x27: {  	[bflag:$0x0] =	sbarrier.arrive $0xFFFF  }
0x28: {  	p0 =	sne.s32 s1, $0x0;
	_ =	strace $0x90000047  }
0x29: {  	s0 =	sadd.s32 @!p0 $0x100000, s0;
	[bflag:$0x2] =	sbarrier.arrive $0xFFFF  }
0x2a: {  	[sflag:s0] =	ssyncadd.tile.s32 @!p0 $0x1;
	_ =	shalt  }
.Lfunc_end2:
_tile_overlayer_lowered:
.L_overlay_start_2:
0x2b: {  	(tag) =	ssettag $0x2  }
0x2c: {  	s0 =	rddreg [dreg:$0x0];
	s2 =	stileid.u32  }
0x2d: {  	s1 =	rddreg [dreg:$0x1];
	p0 =	sne.s32 s2, $0x0  }
0x2e: {  	s3 =	rddreg [dreg:$0x2];
	[bflag:$0x3] =	sbarrier.arrive $0xFFFF;
	s2 =	simm.s32 @!p0 $0x1C04  }
0x2f: {  	[timem:s3], [sflag:s2] =	dma.local @!p0 [hbm:s0], s1  }
0x30: {  	s0 =	simm.s32 @!p0 $0x4  }
0x31: {  	_ =	swait.ge @!p0 [sflag:s0], s1  }
0x32: {  	s1 =	ssub.s32 @!p0 $0x0, s1;
	[sflag:s0] =	ssyncset.done @!p0 $0x0  }
0x33: {  	[sflag:s0] =	ssyncadd.s32 @!p0 s1  }
0x34: {  	[bflag:$0x3] =	sbarrier.arrive $0xFFFF  }
0x35: {  	_ =	shalt  }

</sc_bundles>
